<compile_context>
chip_gen: v7x
topology: tpu7x:2x2x1
jax: 0.10.2.dev20260603
libtpu: 0.0.44.dev20260713+nightly
codegen_flags: <defaults>
</compile_context>

<pallas_src>
import functools

import jax
import jax.numpy as jnp
from jax import lax
from jax.experimental import pallas as pl
from jax.experimental.pallas import tpu as pltpu
from jax.experimental.pallas import tpu_sc as plsc

MAX_LEN = 2048
EMBED_DIM = 768
NUM_CORES = 2
ROWS_PER_CORE = MAX_LEN // NUM_CORES
NCHUNK = 4
CHUNK = ROWS_PER_CORE // NCHUNK

_mesh = plsc.ScalarSubcoreMesh(axis_name="c", num_cores=NUM_CORES)


@functools.partial(
    pl.kernel,
    out_type=jax.ShapeDtypeStruct((MAX_LEN, EMBED_DIM), jnp.float32),
    mesh=_mesh,
    scratch_types=(
        [pltpu.VMEM_SHARED((ROWS_PER_CORE, EMBED_DIM), jnp.float32)]
        + [pltpu.SemaphoreType.DMA] * (2 * NCHUNK)
    ),
)
def _positional_lookup(table_hbm, out_hbm, stage, *sems):
    base = lax.axis_index("c") * ROWS_PER_CORE
    gathers = []
    for i in range(NCHUNK):
        gathers.append(
            pltpu.async_copy(
                table_hbm.at[pl.ds(base + i * CHUNK, CHUNK)],
                stage.at[pl.ds(i * CHUNK, CHUNK)],
                sems[i],
            )
        )
    scatters = []
    for i in range(NCHUNK):
        gathers[i].wait()
        scatters.append(
            pltpu.async_copy(
                stage.at[pl.ds(i * CHUNK, CHUNK)],
                out_hbm.at[pl.ds(base + i * CHUNK, CHUNK)],
                sems[NCHUNK + i],
            )
        )
    for s in scatters:
        s.wait()


def kernel(x, table):
    del x
    return _positional_lookup(table)[None]

# --- scband reference (transcript-rebuilt; emitter-appended) ---
"""Pipeline reference for scband-elysium-positional-embedding-35656818492115 (READ-ONLY COPY).

The authoritative reference and input builder live on the scoring server;
editing this copy changes nothing except your own understanding.
"""

import jax, jax.numpy as jnp
import numpy as np

MAX_LEN = 2048
EMBED_DIM = 768
BATCH = 4
SEQ_LEN = 2048

def setup_inputs(seed: int = 0) -> dict:
    key = jax.random.key(seed)
    k1, k2 = jax.random.split(key)
    x = jax.random.randint(k1, (BATCH, SEQ_LEN), 0, 1000, dtype=jnp.int64 if jax.config.jax_enable_x64 else jnp.int32)
    table = jax.random.normal(k2, (MAX_LEN, EMBED_DIM), dtype=jnp.float32)
    return {"x": x, "table": table}

def reference(x, table):
    seq_len = x.shape[1]
    positions = jnp.arange(seq_len, dtype=jnp.int32)[None, :]  # [1, seq_len]
    out = jnp.take(table, positions, axis=0)  # [1, seq_len, embed_dim]
    return out

if __name__ == "__main__":
    import jax
    _d = setup_inputs()
    print(jax.jit(kernel)(*tuple(_d.values())))

</pallas_src>

<mosaic_0001>
#map = affine_map<(d0) -> (0, 0)>
module attributes {stable_mosaic.version = 14 : i64} {
  func.func @_positional_lookup(%arg0: i32, %arg1: memref<2048x768xf32, #tpu.memory_space<hbm>>, %arg2: memref<2048x768xf32, #tpu.memory_space<hbm>>, %arg3: memref<1024x768xf32, #tpu.memory_space<vmem_shared>>, %arg4: memref<!tpu.dma_semaphore, #tpu.memory_space<semaphore_mem>>, %arg5: memref<!tpu.dma_semaphore, #tpu.memory_space<semaphore_mem>>, %arg6: memref<!tpu.dma_semaphore, #tpu.memory_space<semaphore_mem>>, %arg7: memref<!tpu.dma_semaphore, #tpu.memory_space<semaphore_mem>>, %arg8: memref<!tpu.dma_semaphore, #tpu.memory_space<semaphore_mem>>, %arg9: memref<!tpu.dma_semaphore, #tpu.memory_space<semaphore_mem>>, %arg10: memref<!tpu.dma_semaphore, #tpu.memory_space<semaphore_mem>>, %arg11: memref<!tpu.dma_semaphore, #tpu.memory_space<semaphore_mem>>) attributes {dimension_semantics = [#tpu.dimension_semantics<core_parallel>], iteration_bounds = array<i64: 2>, scalar_prefetch = 0 : i64, scratch_operands = 9 : i64, tpu.core_type = #tpu.core_type<sc_scalar_subcore>, window_params = [{transform_indices = #map}, {transform_indices = #map}]} {
    %mul3A = arith.constant 1024 : i32
    %mul3A_0 = arith.muli %arg0, %mul3A : i32
    %add3A = arith.constant 0 : i32
    %add3A_1 = arith.addi %mul3A_0, %add3A : i32
    %dma_start3A = arith.constant 0 : i32
    %dma_start3A_2 = arith.constant 0 : i32
    %dma_start3A_3 = tpu.memref_slice %arg3[%dma_start3A, %dma_start3A_2] : memref<1024x768xf32, #tpu.memory_space<vmem_shared>> -> memref<256x768xf32, #tpu.memory_space<vmem_shared>>
    %dma_start3A_4 = arith.constant 0 : i32
    %dma_start3A_5 = tpu.memref_slice %arg1[%add3A_1, %dma_start3A_4] : memref<2048x768xf32, #tpu.memory_space<hbm>> -> memref<256x768xf32, #tpu.memory_space<hbm>>
    tpu.enqueue_dma source(%dma_start3A_5 : memref<256x768xf32, #tpu.memory_space<hbm>>) target(%dma_start3A_3 : memref<256x768xf32, #tpu.memory_space<vmem_shared>>) target_semaphore(%arg4 : memref<!tpu.dma_semaphore, #tpu.memory_space<semaphore_mem>>)
    %add3A_6 = arith.constant 256 : i32
    %add3A_7 = arith.addi %mul3A_0, %add3A_6 : i32
    %dma_start3A_8 = arith.constant 256 : i32
    %dma_start3A_9 = arith.constant 0 : i32
    %dma_start3A_10 = tpu.memref_slice %arg3[%dma_start3A_8, %dma_start3A_9] : memref<1024x768xf32, #tpu.memory_space<vmem_shared>> -> memref<256x768xf32, #tpu.memory_space<vmem_shared>>
    %dma_start3A_11 = arith.constant 0 : i32
    %dma_start3A_12 = tpu.memref_slice %arg1[%add3A_7, %dma_start3A_11] : memref<2048x768xf32, #tpu.memory_space<hbm>> -> memref<256x768xf32, #tpu.memory_space<hbm>>
    tpu.enqueue_dma source(%dma_start3A_12 : memref<256x768xf32, #tpu.memory_space<hbm>>) target(%dma_start3A_10 : memref<256x768xf32, #tpu.memory_space<vmem_shared>>) target_semaphore(%arg5 : memref<!tpu.dma_semaphore, #tpu.memory_space<semaphore_mem>>)
    %add3A_13 = arith.constant 512 : i32
    %add3A_14 = arith.addi %mul3A_0, %add3A_13 : i32
    %dma_start3A_15 = arith.constant 512 : i32
    %dma_start3A_16 = arith.constant 0 : i32
    %dma_start3A_17 = tpu.memref_slice %arg3[%dma_start3A_15, %dma_start3A_16] : memref<1024x768xf32, #tpu.memory_space<vmem_shared>> -> memref<256x768xf32, #tpu.memory_space<vmem_shared>>
    %dma_start3A_18 = arith.constant 0 : i32
    %dma_start3A_19 = tpu.memref_slice %arg1[%add3A_14, %dma_start3A_18] : memref<2048x768xf32, #tpu.memory_space<hbm>> -> memref<256x768xf32, #tpu.memory_space<hbm>>
    tpu.enqueue_dma source(%dma_start3A_19 : memref<256x768xf32, #tpu.memory_space<hbm>>) target(%dma_start3A_17 : memref<256x768xf32, #tpu.memory_space<vmem_shared>>) target_semaphore(%arg6 : memref<!tpu.dma_semaphore, #tpu.memory_space<semaphore_mem>>)
    %add3A_20 = arith.constant 768 : i32
    %add3A_21 = arith.addi %mul3A_0, %add3A_20 : i32
    %dma_start3A_22 = arith.constant 768 : i32
    %dma_start3A_23 = arith.constant 0 : i32
    %dma_start3A_24 = tpu.memref_slice %arg3[%dma_start3A_22, %dma_start3A_23] : memref<1024x768xf32, #tpu.memory_space<vmem_shared>> -> memref<256x768xf32, #tpu.memory_space<vmem_shared>>
    %dma_start3A_25 = arith.constant 0 : i32
    %dma_start3A_26 = tpu.memref_slice %arg1[%add3A_21, %dma_start3A_25] : memref<2048x768xf32, #tpu.memory_space<hbm>> -> memref<256x768xf32, #tpu.memory_space<hbm>>
    tpu.enqueue_dma source(%dma_start3A_26 : memref<256x768xf32, #tpu.memory_space<hbm>>) target(%dma_start3A_24 : memref<256x768xf32, #tpu.memory_space<vmem_shared>>) target_semaphore(%arg7 : memref<!tpu.dma_semaphore, #tpu.memory_space<semaphore_mem>>)
    %dma_wait3A = arith.constant 0 : i32
    %dma_wait3A_27 = arith.constant 0 : i32
    %dma_wait3A_28 = tpu.memref_slice %arg3[%dma_wait3A, %dma_wait3A_27] : memref<1024x768xf32, #tpu.memory_space<vmem_shared>> -> memref<256x768xf32, #tpu.memory_space<vmem_shared>>
    %dma_wait3A_29 = arith.constant 0 : i32
    %dma_wait3A_30 = tpu.memref_slice %arg1[%add3A_1, %dma_wait3A_29] : memref<2048x768xf32, #tpu.memory_space<hbm>> -> memref<256x768xf32, #tpu.memory_space<hbm>>
    tpu.wait_dma2 semaphore(%arg4 : memref<!tpu.dma_semaphore, #tpu.memory_space<semaphore_mem>>) src(%dma_wait3A_30 : memref<256x768xf32, #tpu.memory_space<hbm>>) dst(%dma_wait3A_28 : memref<256x768xf32, #tpu.memory_space<vmem_shared>>)
    %add3A_31 = arith.constant 0 : i32
    %add3A_32 = arith.addi %mul3A_0, %add3A_31 : i32
    %dma_start3A_33 = arith.constant 0 : i32
    %dma_start3A_34 = tpu.memref_slice %arg2[%add3A_32, %dma_start3A_33] : memref<2048x768xf32, #tpu.memory_space<hbm>> -> memref<256x768xf32, #tpu.memory_space<hbm>>
    %dma_start3A_35 = arith.constant 0 : i32
    %dma_start3A_36 = arith.constant 0 : i32
    %dma_start3A_37 = tpu.memref_slice %arg3[%dma_start3A_35, %dma_start3A_36] : memref<1024x768xf32, #tpu.memory_space<vmem_shared>> -> memref<256x768xf32, #tpu.memory_space<vmem_shared>>
    tpu.enqueue_dma source(%dma_start3A_37 : memref<256x768xf32, #tpu.memory_space<vmem_shared>>) target(%dma_start3A_34 : memref<256x768xf32, #tpu.memory_space<hbm>>) target_semaphore(%arg8 : memref<!tpu.dma_semaphore, #tpu.memory_space<semaphore_mem>>)
    %dma_wait3A_38 = arith.constant 256 : i32
    %dma_wait3A_39 = arith.constant 0 : i32
    %dma_wait3A_40 = tpu.memref_slice %arg3[%dma_wait3A_38, %dma_wait3A_39] : memref<1024x768xf32, #tpu.memory_space<vmem_shared>> -> memref<256x768xf32, #tpu.memory_space<vmem_shared>>
    %dma_wait3A_41 = arith.constant 0 : i32
    %dma_wait3A_42 = tpu.memref_slice %arg1[%add3A_7, %dma_wait3A_41] : memref<2048x768xf32, #tpu.memory_space<hbm>> -> memref<256x768xf32, #tpu.memory_space<hbm>>
    tpu.wait_dma2 semaphore(%arg5 : memref<!tpu.dma_semaphore, #tpu.memory_space<semaphore_mem>>) src(%dma_wait3A_42 : memref<256x768xf32, #tpu.memory_space<hbm>>) dst(%dma_wait3A_40 : memref<256x768xf32, #tpu.memory_space<vmem_shared>>)
    %add3A_43 = arith.constant 256 : i32
    %add3A_44 = arith.addi %mul3A_0, %add3A_43 : i32
    %dma_start3A_45 = arith.constant 0 : i32
    %dma_start3A_46 = tpu.memref_slice %arg2[%add3A_44, %dma_start3A_45] : memref<2048x768xf32, #tpu.memory_space<hbm>> -> memref<256x768xf32, #tpu.memory_space<hbm>>
    %dma_start3A_47 = arith.constant 256 : i32
    %dma_start3A_48 = arith.constant 0 : i32
    %dma_start3A_49 = tpu.memref_slice %arg3[%dma_start3A_47, %dma_start3A_48] : memref<1024x768xf32, #tpu.memory_space<vmem_shared>> -> memref<256x768xf32, #tpu.memory_space<vmem_shared>>
    tpu.enqueue_dma source(%dma_start3A_49 : memref<256x768xf32, #tpu.memory_space<vmem_shared>>) target(%dma_start3A_46 : memref<256x768xf32, #tpu.memory_space<hbm>>) target_semaphore(%arg9 : memref<!tpu.dma_semaphore, #tpu.memory_space<semaphore_mem>>)
    %dma_wait3A_50 = arith.constant 512 : i32
    %dma_wait3A_51 = arith.constant 0 : i32
    %dma_wait3A_52 = tpu.memref_slice %arg3[%dma_wait3A_50, %dma_wait3A_51] : memref<1024x768xf32, #tpu.memory_space<vmem_shared>> -> memref<256x768xf32, #tpu.memory_space<vmem_shared>>
    %dma_wait3A_53 = arith.constant 0 : i32
    %dma_wait3A_54 = tpu.memref_slice %arg1[%add3A_14, %dma_wait3A_53] : memref<2048x768xf32, #tpu.memory_space<hbm>> -> memref<256x768xf32, #tpu.memory_space<hbm>>
    tpu.wait_dma2 semaphore(%arg6 : memref<!tpu.dma_semaphore, #tpu.memory_space<semaphore_mem>>) src(%dma_wait3A_54 : memref<256x768xf32, #tpu.memory_space<hbm>>) dst(%dma_wait3A_52 : memref<256x768xf32, #tpu.memory_space<vmem_shared>>)
    %add3A_55 = arith.constant 512 : i32
    %add3A_56 = arith.addi %mul3A_0, %add3A_55 : i32
    %dma_start3A_57 = arith.constant 0 : i32
    %dma_start3A_58 = tpu.memref_slice %arg2[%add3A_56, %dma_start3A_57] : memref<2048x768xf32, #tpu.memory_space<hbm>> -> memref<256x768xf32, #tpu.memory_space<hbm>>
    %dma_start3A_59 = arith.constant 512 : i32
    %dma_start3A_60 = arith.constant 0 : i32
    %dma_start3A_61 = tpu.memref_slice %arg3[%dma_start3A_59, %dma_start3A_60] : memref<1024x768xf32, #tpu.memory_space<vmem_shared>> -> memref<256x768xf32, #tpu.memory_space<vmem_shared>>
    tpu.enqueue_dma source(%dma_start3A_61 : memref<256x768xf32, #tpu.memory_space<vmem_shared>>) target(%dma_start3A_58 : memref<256x768xf32, #tpu.memory_space<hbm>>) target_semaphore(%arg10 : memref<!tpu.dma_semaphore, #tpu.memory_space<semaphore_mem>>)
    %dma_wait3A_62 = arith.constant 768 : i32
    %dma_wait3A_63 = arith.constant 0 : i32
    %dma_wait3A_64 = tpu.memref_slice %arg3[%dma_wait3A_62, %dma_wait3A_63] : memref<1024x768xf32, #tpu.memory_space<vmem_shared>> -> memref<256x768xf32, #tpu.memory_space<vmem_shared>>
    %dma_wait3A_65 = arith.constant 0 : i32
    %dma_wait3A_66 = tpu.memref_slice %arg1[%add3A_21, %dma_wait3A_65] : memref<2048x768xf32, #tpu.memory_space<hbm>> -> memref<256x768xf32, #tpu.memory_space<hbm>>
    tpu.wait_dma2 semaphore(%arg7 : memref<!tpu.dma_semaphore, #tpu.memory_space<semaphore_mem>>) src(%dma_wait3A_66 : memref<256x768xf32, #tpu.memory_space<hbm>>) dst(%dma_wait3A_64 : memref<256x768xf32, #tpu.memory_space<vmem_shared>>)
    %add3A_67 = arith.constant 768 : i32
    %add3A_68 = arith.addi %mul3A_0, %add3A_67 : i32
    %dma_start3A_69 = arith.constant 0 : i32
    %dma_start3A_70 = tpu.memref_slice %arg2[%add3A_68, %dma_start3A_69] : memref<2048x768xf32, #tpu.memory_space<hbm>> -> memref<256x768xf32, #tpu.memory_space<hbm>>
    %dma_start3A_71 = arith.constant 768 : i32
    %dma_start3A_72 = arith.constant 0 : i32
    %dma_start3A_73 = tpu.memref_slice %arg3[%dma_start3A_71, %dma_start3A_72] : memref<1024x768xf32, #tpu.memory_space<vmem_shared>> -> memref<256x768xf32, #tpu.memory_space<vmem_shared>>
    tpu.enqueue_dma source(%dma_start3A_73 : memref<256x768xf32, #tpu.memory_space<vmem_shared>>) target(%dma_start3A_70 : memref<256x768xf32, #tpu.memory_space<hbm>>) target_semaphore(%arg11 : memref<!tpu.dma_semaphore, #tpu.memory_space<semaphore_mem>>)
    %dma_wait3A_74 = arith.constant 0 : i32
    %dma_wait3A_75 = tpu.memref_slice %arg2[%add3A_32, %dma_wait3A_74] : memref<2048x768xf32, #tpu.memory_space<hbm>> -> memref<256x768xf32, #tpu.memory_space<hbm>>
    %dma_wait3A_76 = arith.constant 0 : i32
    %dma_wait3A_77 = arith.constant 0 : i32
    %dma_wait3A_78 = tpu.memref_slice %arg3[%dma_wait3A_76, %dma_wait3A_77] : memref<1024x768xf32, #tpu.memory_space<vmem_shared>> -> memref<256x768xf32, #tpu.memory_space<vmem_shared>>
    tpu.wait_dma2 semaphore(%arg8 : memref<!tpu.dma_semaphore, #tpu.memory_space<semaphore_mem>>) src(%dma_wait3A_78 : memref<256x768xf32, #tpu.memory_space<vmem_shared>>) dst(%dma_wait3A_75 : memref<256x768xf32, #tpu.memory_space<hbm>>)
    %dma_wait3A_79 = arith.constant 0 : i32
    %dma_wait3A_80 = tpu.memref_slice %arg2[%add3A_44, %dma_wait3A_79] : memref<2048x768xf32, #tpu.memory_space<hbm>> -> memref<256x768xf32, #tpu.memory_space<hbm>>
    %dma_wait3A_81 = arith.constant 256 : i32
    %dma_wait3A_82 = arith.constant 0 : i32
    %dma_wait3A_83 = tpu.memref_slice %arg3[%dma_wait3A_81, %dma_wait3A_82] : memref<1024x768xf32, #tpu.memory_space<vmem_shared>> -> memref<256x768xf32, #tpu.memory_space<vmem_shared>>
    tpu.wait_dma2 semaphore(%arg9 : memref<!tpu.dma_semaphore, #tpu.memory_space<semaphore_mem>>) src(%dma_wait3A_83 : memref<256x768xf32, #tpu.memory_space<vmem_shared>>) dst(%dma_wait3A_80 : memref<256x768xf32, #tpu.memory_space<hbm>>)
    %dma_wait3A_84 = arith.constant 0 : i32
    %dma_wait3A_85 = tpu.memref_slice %arg2[%add3A_56, %dma_wait3A_84] : memref<2048x768xf32, #tpu.memory_space<hbm>> -> memref<256x768xf32, #tpu.memory_space<hbm>>
    %dma_wait3A_86 = arith.constant 512 : i32
    %dma_wait3A_87 = arith.constant 0 : i32
    %dma_wait3A_88 = tpu.memref_slice %arg3[%dma_wait3A_86, %dma_wait3A_87] : memref<1024x768xf32, #tpu.memory_space<vmem_shared>> -> memref<256x768xf32, #tpu.memory_space<vmem_shared>>
    tpu.wait_dma2 semaphore(%arg10 : memref<!tpu.dma_semaphore, #tpu.memory_space<semaphore_mem>>) src(%dma_wait3A_88 : memref<256x768xf32, #tpu.memory_space<vmem_shared>>) dst(%dma_wait3A_85 : memref<256x768xf32, #tpu.memory_space<hbm>>)
    %dma_wait3A_89 = arith.constant 0 : i32
    %dma_wait3A_90 = tpu.memref_slice %arg2[%add3A_68, %dma_wait3A_89] : memref<2048x768xf32, #tpu.memory_space<hbm>> -> memref<256x768xf32, #tpu.memory_space<hbm>>
    %dma_wait3A_91 = arith.constant 768 : i32
    %dma_wait3A_92 = arith.constant 0 : i32
    %dma_wait3A_93 = tpu.memref_slice %arg3[%dma_wait3A_91, %dma_wait3A_92] : memref<1024x768xf32, #tpu.memory_space<vmem_shared>> -> memref<256x768xf32, #tpu.memory_space<vmem_shared>>
    tpu.wait_dma2 semaphore(%arg11 : memref<!tpu.dma_semaphore, #tpu.memory_space<semaphore_mem>>) src(%dma_wait3A_93 : memref<256x768xf32, #tpu.memory_space<vmem_shared>>) dst(%dma_wait3A_90 : memref<256x768xf32, #tpu.memory_space<hbm>>)
    return
  }
}

</mosaic_0001>

<sc_bundles>
// kernel: kernel.3.cloned.1.call-start
scs
__scs_entry_jumppad:
0x0: {  	(pc) =	sbr.rel $0x88, $3  }
0x1: {  	(tag) =	ssettag $0x0;
	lr =	simm.s32 $0x1  }
0x2: {  	[smem:$0x3FA0] =	sst lr;
	_ =	strace $0xD0000000  }
0x3: {  	_ = 	snop  }
0x4: {  	_ = 	snop  }
0x5: {  	_ = 	snop  }
0x6: {  	_ = 	snop  }
0x7: {  	_ = 	snop  }
__scs_overlays_trampoline_lowered:
0x8: {  	[smem:$0x3FAF] =	sst s0  }
0x9: {  	[smem:$0x3FB0] =	sst s1  }
0xa: {  	[smem:$0x3FB1] =	sst s2  }
0xb: {  	[smem:$0x3FB2] =	sst s3  }
0xc: {  	[smem:$0x3FB3] =	sst s4  }
0xd: {  	[smem:$0x3FB4] =	sst s5  }
0xe: {  	[smem:$0x3FB5] =	sst s6  }
0xf: {  	[smem:$0x3FB6] =	sst s7  }
0x10: {  	[smem:$0x3FB7] =	sst s8  }
0x11: {  	[smem:$0x3FB8] =	sst s9;
	s0 =	simm.s32 @!p0 $0x0  }
0x12: {  	s1 =	sld [smem:$0x3F9E];
	s0 =	simm.s32 @p0 $0x1  }
0x13: {  	[smem:$0x3FB9] =	sst s0;
	s0 =	simm.s32 @!p1 $0x0  }
0x14: {  	s2 =	sld [smem:$0x3F9D];
	s0 =	simm.s32 @p1 $0x1  }
0x15: {  	[smem:$0x3FBA] =	sst s0;
	s0 =	simm.s32 @!p2 $0x0  }
0x16: {  	s3 =	sld [smem:$0x3FDB];
	s0 =	simm.s32 @p2 $0x1  }
0x17: {  	s4 =	simm.s32 $0x1BF5;
	[smem:$0x3FBC] =	sst s0  }
0x18: {  	s0 =	sld [smem:$0x3F9F];
	_ =	swait.ge [sflag:s4], $0x0  }
0x19: {  	s7 =	sld [smem:$0x3FA0]  }
0x1a: {  	s8 =	sadd.s32 $0xFFFFE003, lr  }
0x1b: {  	s9 =	sadd.s32 $0xFFFFFEF7, lr;
	s5 =	simm.s32 $0xFFFFFFFF;
	p2 =	slt.u32 s8, $0xFFFFF086  }
0x1c: {  	p1 =	slt.u32 s9, $0xF7A;
	s5 =	simm.s32 @!p2 $0x0  }
0x1d: {  	s5 =	simm.s32 @p1 $0x1;
	p0 =	seq.s32 s7, s2  }
0x1e: {  	s7 =	smul.u32 @!p0 $0xF7A, s2;
	p2 =	seq.s32 @!p0 s5, $0x0  }
0x1f: {  	s9 =	smul.u32 $0xF7A, s1;
	s8 =	simm.s32 @!p0 $0x1BF5;
	p2 =	por !p2, p0  }
0x20: {  	[sflag:s8] =	ssyncset.s32 @!p0 $0xFFFFF086;
	s6 =	sadd.s32 @!p0 s3, s7;
	s7 =	simm.s32 @!p0 $0x108  }
0x21: {  	s3 =	sadd.s32 s3, s9;
	s6 =	sadd.s32 @!p0 $0x88, s6;
	s7 =	simm.s32 @p2 $0x1082  }
0x22: {  	[simem:s7], [sflag:s8] =	dma.local @!p0 [hbm:s6], $0xF7A  }
0x23: {  	s9 =	sor.u32 $0xD0000000, s2;
	s6 =	simm.s32 $0x108;
	_ =	swait.ge @!p0 [sflag:s8], $0x0  }
0x24: {  	s3 =	sadd.s32 $0x88, s3;
	s6 =	simm.s32 @!p1 $0x1082;
	[sflag:s4] =	ssyncset.s32 $0xFFFFF086  }
0x25: {  	[simem:s6], [sflag:s4] =	dma.local [hbm:s3], $0xF7A  }
0x26: {  	[smem:$0x3FA0] =	sst s1;
	(tag) =	ssettag s2;
	_ =	strace s9  }
0x27: {  	s1 =	sld [smem:$0x3FB0]  }
0x28: {  	s2 =	sld [smem:$0x3FB1]  }
0x29: {  	s4 =	sld [smem:$0x3FB3]  }
0x2a: {  	p0 =	seq.s32 s5, $0x0;
	s5 =	sld [smem:$0x3FB4]  }
0x2b: {  	s6 =	sld [smem:$0x3FB5]  }
0x2c: {  	s7 =	sld [smem:$0x3FB6]  }
0x2d: {  	s3 =	simm.s32 $0x108;
	s8 =	sld [smem:$0x3FB7]  }
0x2e: {  	s3 =	simm.s32 @!p0 $0x1082;
	s9 =	sld [smem:$0x3FB8]  }
0x2f: {  	lr =	sadd.s32 s0, s3;
	s0 =	sld [smem:$0x3FAF]  }
0x30: {  	s3 =	sld [smem:$0x3FB2]  }
0x31: {  	[smem:$0x3FBB] =	sst s10  }
0x32: {  	s10 =	sld [smem:$0x3FB9];
	_ =	sdelay $0x3  }
0x33: {  	p0 =	seq.s32 s10, $0x1;
	s10 =	sld [smem:$0x3FBB];
	_ =	sdelay $0x3  }
0x34: {  	[smem:$0x3FBB] =	sst s10  }
0x35: {  	s10 =	sld [smem:$0x3FBA];
	_ =	sdelay $0x3  }
0x36: {  	p1 =	seq.s32 s10, $0x1;
	s10 =	sld [smem:$0x3FBB];
	_ =	sdelay $0x3  }
0x37: {  	[smem:$0x3FBB] =	sst s10  }
0x38: {  	s10 =	sld [smem:$0x3FBC]  }
0x39: {  	_ = 	snop;
	(pc) =	sbr.ind lr, $3  }
0x3a: {  	_ = 	snop  }
0x3b: {  	_ = 	snop  }
0x3c: {  	p2 =	seq.s32 s10, $0x1;
	s10 =	sld [smem:$0x3FBB]  }
0x3d: {  	_ =	shalt  }
0x3e: {  	_ =	shalt  }
0x3f: {  	_ =	shalt  }
0x40: {  	_ =	shalt  }
0x41: {  	_ =	shalt  }
0x42: {  	_ =	shalt  }
0x43: {  	_ =	shalt  }
0x44: {  	_ =	shalt  }
0x45: {  	_ =	shalt  }
0x46: {  	_ =	shalt  }
0x47: {  	_ =	shalt  }
0x48: {  	_ =	shalt  }
0x49: {  	_ =	shalt  }
0x4a: {  	_ =	shalt  }
0x4b: {  	_ =	shalt  }
0x4c: {  	_ =	shalt  }
0x4d: {  	_ =	shalt  }
0x4e: {  	_ =	shalt  }
0x4f: {  	_ =	shalt  }
0x50: {  	_ =	shalt  }
0x51: {  	_ =	shalt  }
0x52: {  	_ =	shalt  }
0x53: {  	_ =	shalt  }
0x54: {  	_ =	shalt  }
0x55: {  	_ =	shalt  }
0x56: {  	_ =	shalt  }
0x57: {  	_ =	shalt  }
0x58: {  	_ =	shalt  }
0x59: {  	_ =	shalt  }
0x5a: {  	_ =	shalt  }
0x5b: {  	_ =	shalt  }
0x5c: {  	_ =	shalt  }
0x5d: {  	_ =	shalt  }
0x5e: {  	_ =	shalt  }
0x5f: {  	_ =	shalt  }
0x60: {  	_ =	shalt  }
0x61: {  	_ =	shalt  }
0x62: {  	_ =	shalt  }
0x63: {  	_ =	shalt  }
0x64: {  	_ =	shalt  }
0x65: {  	_ =	shalt  }
0x66: {  	_ =	shalt  }
0x67: {  	_ =	shalt  }
0x68: {  	_ =	shalt  }
0x69: {  	_ =	shalt  }
0x6a: {  	_ =	shalt  }
0x6b: {  	_ =	shalt  }
0x6c: {  	_ =	shalt  }
0x6d: {  	_ =	shalt  }
0x6e: {  	_ =	shalt  }
0x6f: {  	_ =	shalt  }
0x70: {  	_ =	shalt  }
0x71: {  	_ =	shalt  }
0x72: {  	_ =	shalt  }
0x73: {  	_ =	shalt  }
0x74: {  	_ =	shalt  }
0x75: {  	_ =	shalt  }
0x76: {  	_ =	shalt  }
0x77: {  	_ =	shalt  }
0x78: {  	_ =	shalt  }
0x79: {  	_ =	shalt  }
0x7a: {  	_ =	shalt  }
0x7b: {  	_ =	shalt  }
0x7c: {  	_ =	shalt  }
0x7d: {  	_ =	shalt  }
0x7e: {  	_ =	shalt  }
0x7f: {  	_ =	shalt  }
0x80: {  	_ =	shalt  }
0x81: {  	_ =	shalt  }
0x82: {  	_ =	shalt  }
0x83: {  	_ =	shalt  }
0x84: {  	_ =	shalt  }
0x85: {  	_ =	shalt  }
0x86: {  	_ =	shalt  }
0x87: {  	_ =	shalt  }
.Lfunc_end0:
.L_simem_size_0:
called_computation_lowered:
.L_overlay_start_0:
0x88: {  	s2 =	sld [smem:$0x3FD9]  }
0x89: {  	s3 =	sld [smem:$0x3FFE];
	_ =	sdelay $0x1  }
0x8a: {  	s1 =	srdreg.scid  }
0x8b: {  	s0 =	sand.u32 $0x1, s1  }
0x8c: {  	s30 =	sshll.u32 s0, $0xA;
	s2 =	sadd.s32 s3, s2  }
0x8d: {  	s2 =	sadd.s32 s2, s30  }
0x8e: {  	s4 =	simm.s32 $0x0;
	[smem:$0x3FC7] =	sst s2  }
0x8f: {  	[smem:$0xF] =	sst s4  }
0x90: {  	s2 =	sld [smem:$0x3FC9]  }
0x91: {  	s31 =	sld [smem:$0x3FD0];
	(tm) =	ssettm $0x1  }
0x92: {  	s5 =	sld [smem:$0x3FFB];
	_ =	sdelay $0x3  }
0x93: {  	_ =	strace s5  }
0x94: {  	s5 =	sld [smem:$0x3FFC];
	_ =	sdelay $0x3  }
0x95: {  	_ =	strace s5  }
0x96: {  	s5 =	sld [smem:$0x3FFD];
	_ =	sdelay $0x3  }
0x97: {  	s15 =	simm.s32 $0x1B8B;
	_ =	strace s5  }
0x98: {  	s16 =	simm.s32 $0x1B8E;
	s7 =	simm.s32 $0x9;
	_ =	strace $0x8FFFFFFF  }
0x99: {  	s9 =	simm.s32 $0xA;
	s11 =	smul.u32 $0xC0000, s0;
	_ =	swait.ge [sflag:s15], $0x1  }
0x9a: {  	s10 =	simm.s32 $0x6000;
	s6 =	smul.u32 $0x18000, s0;
	[sflag:s15] =	ssyncset.done $0x0  }
0x9b: {  	s13 =	simm.s32 $0xB;
	s19 =	sshrl.u32 s11, $0x3;
	[sflag:s15] =	ssyncadd.s32 $0xFFFFFFFF  }
0x9c: {  	s18 =	sor.u32 $0x6000, s6;
	s11 =	sadd.s32 $0xC000, s19;
	[smem:$0x3FD2] =	sst s16  }
0x9d: {  	s17 =	sadd.s32 s6, s2;
	s8 =	sadd.s32 s18, s2;
	_ =	strace $0x80000046  }
0x9e: {  	[spmem:s4], [sflag:s7] =	dma.local [hbm:s17], $0x6000  }
0x9f: {  	[spmem:s10], [sflag:s9] =	dma.local [hbm:s8], $0x6000  }
0xa0: {  	s14 =	simm.s32 $0xC000;
	s12 =	sadd.s32 s11, s2;
	s8 =	sadd.s32 $0x12000, s19  }
0xa1: {  	[spmem:s14], [sflag:s13] =	dma.local [hbm:s12], $0x6000  }
0xa2: {  	s20 =	simm.s32 $0xC;
	s15 =	simm.s32 $0x12000;
	s2 =	sadd.s32 s8, s2  }
0xa3: {  	[spmem:s15], [sflag:s20] =	dma.local [hbm:s2], $0x6000  }
0xa4: {  	_ =	swait.ge [sflag:s7], $0x6000  }
0xa5: {  	[sflag:s7] =	ssyncset.done $0x0  }
0xa6: {  	[sflag:s7] =	ssyncadd.s32 $0xFFFFA000  }
0xa7: {  	s22 =	simm.s32 $0xD;
	s21 =	sadd.s32 s6, s31  }
0xa8: {  	[hbm:s21], [sflag:s22] =	dma.local [spmem:s4], $0x6000  }
0xa9: {  	_ =	swait.ge [sflag:s9], $0x6000  }
0xaa: {  	[sflag:s9] =	ssyncset.done $0x0  }
0xab: {  	[sflag:s9] =	ssyncadd.s32 $0xFFFFA000  }
0xac: {  	s24 =	simm.s32 $0xE;
	s23 =	sadd.s32 s18, s31  }
0xad: {  	[hbm:s23], [sflag:s24] =	dma.local [spmem:s10], $0x6000  }
0xae: {  	_ =	swait.ge [sflag:s13], $0x6000  }
0xaf: {  	[sflag:s13] =	ssyncset.done $0x0  }
0xb0: {  	[sflag:s13] =	ssyncadd.s32 $0xFFFFA000  }
0xb1: {  	s26 =	simm.s32 $0xF;
	s25 =	sadd.s32 s11, s31  }
0xb2: {  	[hbm:s25], [sflag:s26] =	dma.local [spmem:s14], $0x6000  }
0xb3: {  	_ =	swait.ge [sflag:s20], $0x6000  }
0xb4: {  	[sflag:s20] =	ssyncset.done $0x0  }
0xb5: {  	[sflag:s20] =	ssyncadd.s32 $0xFFFFA000  }
0xb6: {  	s29 =	simm.s32 $0x10;
	s28 =	sadd.s32 s8, s31  }
0xb7: {  	[hbm:s28], [sflag:s29] =	dma.local [spmem:s15], $0x6000  }
0xb8: {  	_ =	swait.ge [sflag:s22], $0x6000  }
0xb9: {  	[sflag:s22] =	ssyncset.done $0x0  }
0xba: {  	[sflag:s22] =	ssyncadd.s32 $0xFFFFA000;
	_ =	sdelay $0x2  }
0xbb: {  	_ =	swait.ge [sflag:s24], $0x6000  }
0xbc: {  	[sflag:s24] =	ssyncset.done $0x0  }
0xbd: {  	[sflag:s24] =	ssyncadd.s32 $0xFFFFA000;
	_ =	sdelay $0x2  }
0xbe: {  	_ =	swait.ge [sflag:s26], $0x6000  }
0xbf: {  	[sflag:s26] =	ssyncset.done $0x0  }
0xc0: {  	[sflag:s26] =	ssyncadd.s32 $0xFFFFA000;
	_ =	sdelay $0x2  }
0xc1: {  	_ =	swait.ge [sflag:s29], $0x6000  }
0xc2: {  	[sflag:s29] =	ssyncset.done $0x0  }
0xc3: {  	[sflag:s29] =	ssyncadd.s32 $0xFFFFA000  }
0xc4: {  	_ =	strace $0x90000046  }
0xc5: {  	_ =	sfence  }
0xc6: {  	s30 =	sld [smem:$0x0];
	_ =	sdelay $0x2  }
0xc7: {  	s31 =	sshll.u32 s1, $0xD;
	s1 =	sshrl.u32 s1, $0x2  }
0xc8: {  	s3 =	sand.u32 $0x4000, s31;
	s1 =	sadd.s32 s1, s30  }
0xc9: {  	s0 =	sor.u32 s3, s0;
	s1 =	sshll.u32 s1, $0x11  }
0xca: {  	s0 =	sor.u32 s1, s0  }
0xcb: {  	s0 =	sadd.s32 $0x8F2B, s0;
	(pc) =	sbr.abs _section_cstart, $3  }
0xcc: {  	[sflag:s0] =	ssyncadd.remote.s32 $0x1  }
0xcd: {  	_ =	strace $0x9FFFFFFF  }
0xce: {  	(tm) =	ssettm $0x7FFFFFFF  }
0xcf: {  	_ =	shalt  }

</sc_bundles>
